<compile_context>
chip_gen: v7x
topology: tpu7x:2x2x1
jax: 0.10.2.dev20260603
libtpu: 0.0.44.dev20260713+nightly
codegen_flags: <defaults>
</compile_context>

<pallas_src>
import functools

import jax
import jax.numpy as jnp
from jax import lax
from jax.experimental import pallas as pl
from jax.experimental.pallas import tpu as pltpu
from jax.experimental.pallas import tpu_sc as plsc



def _tc_body(qt_ref, es_ref, idx_ref, loss_ref, *, n_codes, scale):
    qt = qt_ref[...]
    es = es_ref[...]
    e2 = 0.25 * jnp.sum(es * es, axis=1, keepdims=True)
    q2 = jnp.sum(qt * qt, axis=0, keepdims=True)
    mm = lax.dot_general(
        es, qt, (((1,), (0,)), ((), ())),
        preferred_element_type=jnp.float32)
    scores = (q2 + e2) + mm
    m = jnp.min(scores, axis=0)
    code_iota = lax.broadcasted_iota(
        jnp.int32, scores.shape, 0).astype(jnp.float32)
    idx = jnp.min(
        jnp.where(scores == m[None, :], code_iota, float(n_codes)),
        axis=0).astype(jnp.int32)
    idx_ref[0, 0, :] = idx

    partial = (jnp.sum(m) * scale).reshape(1, 1)

    @pl.when(pl.program_id(0) == 0)
    def _init():
        loss_ref[...] = jnp.zeros_like(loss_ref)

    loss_ref[...] += partial


def _tc_stage(q2d, embedding, tile, n_total):
    n, c = q2d.shape
    k = embedding.shape[0]
    qt = q2d.T
    es = embedding * (-2.0)
    grid = n // tile
    scale = 1.25 / float(n_total * c)
    idx3, loss = pl.pallas_call(
        functools.partial(_tc_body, n_codes=k, scale=scale),
        grid=(grid,),
        in_specs=[
            pl.BlockSpec((c, tile), lambda i: (0, i)),
            pl.BlockSpec((k, c), lambda i: (0, 0)),
        ],
        out_specs=[
            pl.BlockSpec((1, 1, tile), lambda i: (i, 0, 0)),
            pl.BlockSpec((1, 1), lambda i: (0, 0)),
        ],
        out_shape=[
            jax.ShapeDtypeStruct((grid, 1, tile), jnp.int32),
            jax.ShapeDtypeStruct((1, 1), jnp.float32),
        ],
    )(qt, es)
    return idx3.reshape(n), loss[0, 0]



_CHUNK = 128


def _sc_gather(table128, idx, n):
    info = plsc.get_sparse_core_info()
    nw = info.num_cores * info.num_subcores
    b_per_w = n // nw
    n_ch = b_per_w // _CHUNK
    idx3 = idx.reshape(nw, n_ch, _CHUNK)
    mesh = plsc.VectorSubcoreMesh(core_axis_name="c", subcore_axis_name="s")

    @functools.partial(
        pl.kernel, mesh=mesh,
        out_type=jax.ShapeDtypeStruct((n, 128), jnp.float32),
        scratch_types=[
            pltpu.VMEM((n_ch, _CHUNK), jnp.int32),
            pltpu.VMEM((b_per_w // 2, 128), jnp.float32),
            pltpu.SemaphoreType.DMA,
        ],
    )
    def gather(table_hbm, idx_hbm, out_hbm, idx_v, rows_v, sem):
        wid = lax.axis_index("s") * info.num_cores + lax.axis_index("c")
        pltpu.sync_copy(idx_hbm.at[wid], idx_v)
        half = n_ch // 2
        for r in range(2):
            copies = []
            for j in range(half):
                copies.append(pltpu.async_copy(
                    table_hbm.at[idx_v.at[r * half + j]],
                    rows_v.at[pl.ds(j * _CHUNK, _CHUNK)],
                    sem))
            for cp in copies:
                cp.wait()
            pltpu.sync_copy(
                rows_v,
                out_hbm.at[pl.ds(wid * b_per_w + r * (b_per_w // 2),
                                 b_per_w // 2)])

    return gather(table128, idx3)



def kernel(queries, embedding):
    b, t, c = queries.shape
    n = b * t
    q2d = queries.reshape(n, c)
    idx, vq_loss = _tc_stage(q2d, embedding, tile=8192, n_total=n)
    table128 = jnp.pad(embedding, ((0, 0), (0, 128 - c)))
    quantized = _sc_gather(table128, idx, n)[:, :c]
    return idx.reshape(b, t), quantized.reshape(b, t, c), vq_loss

# --- scband reference (transcript-rebuilt; emitter-appended) ---
"""Pipeline reference for scband-multi-code-vector-quantizer-5257039970377 (READ-ONLY COPY).

The authoritative reference and input builder live on the scoring server;
editing this copy changes nothing except your own understanding.
"""

import jax, jax.numpy as jnp
import numpy as np


def setup_inputs(seed: int = 0) -> dict:
    key = jax.random.key(seed)
    k1, k2 = jax.random.split(key)
    queries = jax.random.normal(k1, (32, 1024, 64), dtype=jnp.float32)
    embedding = jax.random.normal(k2, (1024, 64), dtype=jnp.float32) * 0.02
    return {"queries": queries, "embedding": embedding}


def reference(queries, embedding):
    commitment_weight = 0.25
    distances = (
        jnp.sum(queries ** 2, axis=-1, keepdims=True)
        + jnp.sum(embedding ** 2, axis=-1).reshape(1, 1, -1)
        - 2.0 * jnp.einsum('bkc,nc->bkn', queries, embedding)
    )
    code_indices = jnp.argmin(distances, axis=-1)
    quantized = jnp.take(embedding, code_indices, axis=0)
    commit_loss = jnp.mean((jax.lax.stop_gradient(queries) - quantized) ** 2)
    codebook_loss = jnp.mean((queries - jax.lax.stop_gradient(quantized)) ** 2)
    vq_loss = codebook_loss + commitment_weight * commit_loss
    quantized_st = queries + jax.lax.stop_gradient(quantized - queries)
    return (code_indices, quantized_st, vq_loss)

if __name__ == "__main__":
    import jax
    _d = setup_inputs()
    print(jax.jit(kernel)(*tuple(_d.values())))

</pallas_src>

<mosaic_0001>
#map = affine_map<(d0, d1) -> (0, 0)>
#map1 = affine_map<(d0, d1) -> (0, 0, 0)>
module attributes {stable_mosaic.version = 14 : i64} {
  func.func @gather(%arg0: i32, %arg1: i32, %arg2: memref<1024x128xf32, #tpu.memory_space<hbm>>, %arg3: memref<32x8x128xi32, #tpu.memory_space<hbm>>, %arg4: memref<32768x128xf32, #tpu.memory_space<hbm>>, %arg5: memref<8x128xi32, #tpu.memory_space<vmem>>, %arg6: memref<512x128xf32, #tpu.memory_space<vmem>>, %arg7: memref<!tpu.dma_semaphore, #tpu.memory_space<semaphore_mem>>) attributes {dimension_semantics = [#tpu.dimension_semantics<core_parallel>, #tpu.dimension_semantics<subcore_parallel>], iteration_bounds = array<i64: 2, 16>, scalar_prefetch = 0 : i64, scratch_operands = 3 : i64, tpu.core_type = #tpu.core_type<sc_vector_subcore>, window_params = [{transform_indices = #map}, {transform_indices = #map1}, {transform_indices = #map}]} {
    %mul3A = arith.constant 2 : i32
    %mul3A_0 = arith.muli %arg1, %mul3A : i32
    %add3A = arith.addi %mul3A_0, %arg0 : i32
    "tpu.region"() ({
      %run_scoped3A = tpu.sem_alloc : memref<!tpu.dma_semaphore, #tpu.memory_space<semaphore_mem>>
      %dma_start3A_167 = arith.constant 0 : i32
      %dma_start3A_168 = arith.constant 0 : i32
      %dma_start3A_169 = tpu.memref_slice %arg3[%add3A, %dma_start3A_167, %dma_start3A_168] : memref<32x8x128xi32, #tpu.memory_space<hbm>> -> memref<1x8x128xi32, #tpu.memory_space<hbm>>
      %dma_start3A_170 = tpu.memref_squeeze %dma_start3A_169 : memref<1x8x128xi32, #tpu.memory_space<hbm>> -> memref<8x128xi32, #tpu.memory_space<hbm>>
      %dma_start3A_171 = arith.constant 0 : i32
      %dma_start3A_172 = arith.constant 0 : i32
      %dma_start3A_173 = tpu.memref_slice %arg3[%add3A, %dma_start3A_171, %dma_start3A_172] : memref<32x8x128xi32, #tpu.memory_space<hbm>> -> memref<1x8x128xi32, #tpu.memory_space<hbm>>
      %dma_start3A_174 = tpu.memref_squeeze %dma_start3A_173 : memref<1x8x128xi32, #tpu.memory_space<hbm>> -> memref<8x128xi32, #tpu.memory_space<hbm>>
      tpu.enqueue_dma source(%dma_start3A_174 : memref<8x128xi32, #tpu.memory_space<hbm>>) target(%arg5 : memref<8x128xi32, #tpu.memory_space<vmem>>) target_semaphore(%run_scoped3A : memref<!tpu.dma_semaphore, #tpu.memory_space<semaphore_mem>>)
      %dma_wait3A_175 = arith.constant 0 : i32
      %dma_wait3A_176 = arith.constant 0 : i32
      %dma_wait3A_177 = tpu.memref_slice %arg3[%add3A, %dma_wait3A_175, %dma_wait3A_176] : memref<32x8x128xi32, #tpu.memory_space<hbm>> -> memref<1x8x128xi32, #tpu.memory_space<hbm>>
      %dma_wait3A_178 = tpu.memref_squeeze %dma_wait3A_177 : memref<1x8x128xi32, #tpu.memory_space<hbm>> -> memref<8x128xi32, #tpu.memory_space<hbm>>
      %dma_wait3A_179 = arith.constant 0 : i32
      %dma_wait3A_180 = arith.constant 0 : i32
      %dma_wait3A_181 = tpu.memref_slice %arg3[%add3A, %dma_wait3A_179, %dma_wait3A_180] : memref<32x8x128xi32, #tpu.memory_space<hbm>> -> memref<1x8x128xi32, #tpu.memory_space<hbm>>
      %dma_wait3A_182 = tpu.memref_squeeze %dma_wait3A_181 : memref<1x8x128xi32, #tpu.memory_space<hbm>> -> memref<8x128xi32, #tpu.memory_space<hbm>>
      tpu.wait_dma2 semaphore(%run_scoped3A : memref<!tpu.dma_semaphore, #tpu.memory_space<semaphore_mem>>) src(%dma_wait3A_182 : memref<8x128xi32, #tpu.memory_space<hbm>>) dst(%arg5 : memref<8x128xi32, #tpu.memory_space<vmem>>)
      tpu.yield
    }) : () -> ()
    %dma_start3A = arith.constant 0 : i32
    %dma_start3A_1 = arith.constant 0 : i32
    %dma_start3A_2 = arith.constant 0 : i32
    %dma_start3A_3 = tpu.memref_slice %arg6[%dma_start3A_1, %dma_start3A_2] : memref<512x128xf32, #tpu.memory_space<vmem>> -> memref<128x128xf32, #tpu.memory_space<vmem>>
    %dma_start3A_4 = arith.constant 0 : i32
    %dma_start3A_5 = tpu.memref_slice %arg5[%dma_start3A, %dma_start3A_4] : memref<8x128xi32, #tpu.memory_space<vmem>> -> memref<1x128xi32, #tpu.memory_space<vmem>>
    %dma_start3A_6 = tpu.memref_squeeze %dma_start3A_5 : memref<1x128xi32, #tpu.memory_space<vmem>> -> memref<128xi32, #tpu.memory_space<vmem>>
    %dma_start3A_7 = arith.constant 0 : i32
    %dma_start3A_8 = arith.constant 0 : i32
    %dma_start3A_9 = tpu.memref_slice %arg2[%dma_start3A_7, %dma_start3A_8] : memref<1024x128xf32, #tpu.memory_space<hbm>> -> memref<1024x128xf32, #tpu.memory_space<hbm>>
    tpu.enqueue_indirect_dma source(%dma_start3A_9 : memref<1024x128xf32, #tpu.memory_space<hbm>>) target(%dma_start3A_3 : memref<128x128xf32, #tpu.memory_space<vmem>>) offsets(%dma_start3A_6 : memref<128xi32, #tpu.memory_space<vmem>>) semaphore(%arg7 : memref<!tpu.dma_semaphore, #tpu.memory_space<semaphore_mem>>)
    %dma_start3A_10 = arith.constant 1 : i32
    %dma_start3A_11 = arith.constant 128 : i32
    %dma_start3A_12 = arith.constant 0 : i32
    %dma_start3A_13 = tpu.memref_slice %arg6[%dma_start3A_11, %dma_start3A_12] : memref<512x128xf32, #tpu.memory_space<vmem>> -> memref<128x128xf32, #tpu.memory_space<vmem>>
    %dma_start3A_14 = arith.constant 0 : i32
    %dma_start3A_15 = tpu.memref_slice %arg5[%dma_start3A_10, %dma_start3A_14] : memref<8x128xi32, #tpu.memory_space<vmem>> -> memref<1x128xi32, #tpu.memory_space<vmem>>
    %dma_start3A_16 = tpu.memref_squeeze %dma_start3A_15 : memref<1x128xi32, #tpu.memory_space<vmem>> -> memref<128xi32, #tpu.memory_space<vmem>>
    %dma_start3A_17 = arith.constant 0 : i32
    %dma_start3A_18 = arith.constant 0 : i32
    %dma_start3A_19 = tpu.memref_slice %arg2[%dma_start3A_17, %dma_start3A_18] : memref<1024x128xf32, #tpu.memory_space<hbm>> -> memref<1024x128xf32, #tpu.memory_space<hbm>>
    tpu.enqueue_indirect_dma source(%dma_start3A_19 : memref<1024x128xf32, #tpu.memory_space<hbm>>) target(%dma_start3A_13 : memref<128x128xf32, #tpu.memory_space<vmem>>) offsets(%dma_start3A_16 : memref<128xi32, #tpu.memory_space<vmem>>) semaphore(%arg7 : memref<!tpu.dma_semaphore, #tpu.memory_space<semaphore_mem>>)
    %dma_start3A_20 = arith.constant 2 : i32
    %dma_start3A_21 = arith.constant 256 : i32
    %dma_start3A_22 = arith.constant 0 : i32
    %dma_start3A_23 = tpu.memref_slice %arg6[%dma_start3A_21, %dma_start3A_22] : memref<512x128xf32, #tpu.memory_space<vmem>> -> memref<128x128xf32, #tpu.memory_space<vmem>>
    %dma_start3A_24 = arith.constant 0 : i32
    %dma_start3A_25 = tpu.memref_slice %arg5[%dma_start3A_20, %dma_start3A_24] : memref<8x128xi32, #tpu.memory_space<vmem>> -> memref<1x128xi32, #tpu.memory_space<vmem>>
    %dma_start3A_26 = tpu.memref_squeeze %dma_start3A_25 : memref<1x128xi32, #tpu.memory_space<vmem>> -> memref<128xi32, #tpu.memory_space<vmem>>
    %dma_start3A_27 = arith.constant 0 : i32
    %dma_start3A_28 = arith.constant 0 : i32
    %dma_start3A_29 = tpu.memref_slice %arg2[%dma_start3A_27, %dma_start3A_28] : memref<1024x128xf32, #tpu.memory_space<hbm>> -> memref<1024x128xf32, #tpu.memory_space<hbm>>
    tpu.enqueue_indirect_dma source(%dma_start3A_29 : memref<1024x128xf32, #tpu.memory_space<hbm>>) target(%dma_start3A_23 : memref<128x128xf32, #tpu.memory_space<vmem>>) offsets(%dma_start3A_26 : memref<128xi32, #tpu.memory_space<vmem>>) semaphore(%arg7 : memref<!tpu.dma_semaphore, #tpu.memory_space<semaphore_mem>>)
    %dma_start3A_30 = arith.constant 3 : i32
    %dma_start3A_31 = arith.constant 384 : i32
    %dma_start3A_32 = arith.constant 0 : i32
    %dma_start3A_33 = tpu.memref_slice %arg6[%dma_start3A_31, %dma_start3A_32] : memref<512x128xf32, #tpu.memory_space<vmem>> -> memref<128x128xf32, #tpu.memory_space<vmem>>
    %dma_start3A_34 = arith.constant 0 : i32
    %dma_start3A_35 = tpu.memref_slice %arg5[%dma_start3A_30, %dma_start3A_34] : memref<8x128xi32, #tpu.memory_space<vmem>> -> memref<1x128xi32, #tpu.memory_space<vmem>>
    %dma_start3A_36 = tpu.memref_squeeze %dma_start3A_35 : memref<1x128xi32, #tpu.memory_space<vmem>> -> memref<128xi32, #tpu.memory_space<vmem>>
    %dma_start3A_37 = arith.constant 0 : i32
    %dma_start3A_38 = arith.constant 0 : i32
    %dma_start3A_39 = tpu.memref_slice %arg2[%dma_start3A_37, %dma_start3A_38] : memref<1024x128xf32, #tpu.memory_space<hbm>> -> memref<1024x128xf32, #tpu.memory_space<hbm>>
    tpu.enqueue_indirect_dma source(%dma_start3A_39 : memref<1024x128xf32, #tpu.memory_space<hbm>>) target(%dma_start3A_33 : memref<128x128xf32, #tpu.memory_space<vmem>>) offsets(%dma_start3A_36 : memref<128xi32, #tpu.memory_space<vmem>>) semaphore(%arg7 : memref<!tpu.dma_semaphore, #tpu.memory_space<semaphore_mem>>)
    %dma_wait3A = arith.constant 0 : i32
    %dma_wait3A_40 = arith.constant 0 : i32
    %dma_wait3A_41 = arith.constant 0 : i32
    %dma_wait3A_42 = tpu.memref_slice %arg6[%dma_wait3A_40, %dma_wait3A_41] : memref<512x128xf32, #tpu.memory_space<vmem>> -> memref<128x128xf32, #tpu.memory_space<vmem>>
    %dma_wait3A_43 = arith.constant 0 : i32
    %dma_wait3A_44 = tpu.memref_slice %arg5[%dma_wait3A, %dma_wait3A_43] : memref<8x128xi32, #tpu.memory_space<vmem>> -> memref<1x128xi32, #tpu.memory_space<vmem>>
    %dma_wait3A_45 = tpu.memref_squeeze %dma_wait3A_44 : memref<1x128xi32, #tpu.memory_space<vmem>> -> memref<128xi32, #tpu.memory_space<vmem>>
    %dma_wait3A_46 = arith.constant 0 : i32
    %dma_wait3A_47 = arith.constant 0 : i32
    %dma_wait3A_48 = tpu.memref_slice %arg2[%dma_wait3A_46, %dma_wait3A_47] : memref<1024x128xf32, #tpu.memory_space<hbm>> -> memref<1024x128xf32, #tpu.memory_space<hbm>>
    tpu.wait_indirect_dma semaphore(%arg7 : memref<!tpu.dma_semaphore, #tpu.memory_space<semaphore_mem>>) src(%dma_wait3A_48 : memref<1024x128xf32, #tpu.memory_space<hbm>>) dst(%dma_wait3A_42 : memref<128x128xf32, #tpu.memory_space<vmem>>)
    %dma_wait3A_49 = arith.constant 1 : i32
    %dma_wait3A_50 = arith.constant 128 : i32
    %dma_wait3A_51 = arith.constant 0 : i32
    %dma_wait3A_52 = tpu.memref_slice %arg6[%dma_wait3A_50, %dma_wait3A_51] : memref<512x128xf32, #tpu.memory_space<vmem>> -> memref<128x128xf32, #tpu.memory_space<vmem>>
    %dma_wait3A_53 = arith.constant 0 : i32
    %dma_wait3A_54 = tpu.memref_slice %arg5[%dma_wait3A_49, %dma_wait3A_53] : memref<8x128xi32, #tpu.memory_space<vmem>> -> memref<1x128xi32, #tpu.memory_space<vmem>>
    %dma_wait3A_55 = tpu.memref_squeeze %dma_wait3A_54 : memref<1x128xi32, #tpu.memory_space<vmem>> -> memref<128xi32, #tpu.memory_space<vmem>>
    %dma_wait3A_56 = arith.constant 0 : i32
    %dma_wait3A_57 = arith.constant 0 : i32
    %dma_wait3A_58 = tpu.memref_slice %arg2[%dma_wait3A_56, %dma_wait3A_57] : memref<1024x128xf32, #tpu.memory_space<hbm>> -> memref<1024x128xf32, #tpu.memory_space<hbm>>
    tpu.wait_indirect_dma semaphore(%arg7 : memref<!tpu.dma_semaphore, #tpu.memory_space<semaphore_mem>>) src(%dma_wait3A_58 : memref<1024x128xf32, #tpu.memory_space<hbm>>) dst(%dma_wait3A_52 : memref<128x128xf32, #tpu.memory_space<vmem>>)
    %dma_wait3A_59 = arith.constant 2 : i32
    %dma_wait3A_60 = arith.constant 256 : i32
    %dma_wait3A_61 = arith.constant 0 : i32
    %dma_wait3A_62 = tpu.memref_slice %arg6[%dma_wait3A_60, %dma_wait3A_61] : memref<512x128xf32, #tpu.memory_space<vmem>> -> memref<128x128xf32, #tpu.memory_space<vmem>>
    %dma_wait3A_63 = arith.constant 0 : i32
    %dma_wait3A_64 = tpu.memref_slice %arg5[%dma_wait3A_59, %dma_wait3A_63] : memref<8x128xi32, #tpu.memory_space<vmem>> -> memref<1x128xi32, #tpu.memory_space<vmem>>
    %dma_wait3A_65 = tpu.memref_squeeze %dma_wait3A_64 : memref<1x128xi32, #tpu.memory_space<vmem>> -> memref<128xi32, #tpu.memory_space<vmem>>
    %dma_wait3A_66 = arith.constant 0 : i32
    %dma_wait3A_67 = arith.constant 0 : i32
    %dma_wait3A_68 = tpu.memref_slice %arg2[%dma_wait3A_66, %dma_wait3A_67] : memref<1024x128xf32, #tpu.memory_space<hbm>> -> memref<1024x128xf32, #tpu.memory_space<hbm>>
    tpu.wait_indirect_dma semaphore(%arg7 : memref<!tpu.dma_semaphore, #tpu.memory_space<semaphore_mem>>) src(%dma_wait3A_68 : memref<1024x128xf32, #tpu.memory_space<hbm>>) dst(%dma_wait3A_62 : memref<128x128xf32, #tpu.memory_space<vmem>>)
    %dma_wait3A_69 = arith.constant 3 : i32
    %dma_wait3A_70 = arith.constant 384 : i32
    %dma_wait3A_71 = arith.constant 0 : i32
    %dma_wait3A_72 = tpu.memref_slice %arg6[%dma_wait3A_70, %dma_wait3A_71] : memref<512x128xf32, #tpu.memory_space<vmem>> -> memref<128x128xf32, #tpu.memory_space<vmem>>
    %dma_wait3A_73 = arith.constant 0 : i32
    %dma_wait3A_74 = tpu.memref_slice %arg5[%dma_wait3A_69, %dma_wait3A_73] : memref<8x128xi32, #tpu.memory_space<vmem>> -> memref<1x128xi32, #tpu.memory_space<vmem>>
    %dma_wait3A_75 = tpu.memref_squeeze %dma_wait3A_74 : memref<1x128xi32, #tpu.memory_space<vmem>> -> memref<128xi32, #tpu.memory_space<vmem>>
    %dma_wait3A_76 = arith.constant 0 : i32
    %dma_wait3A_77 = arith.constant 0 : i32
    %dma_wait3A_78 = tpu.memref_slice %arg2[%dma_wait3A_76, %dma_wait3A_77] : memref<1024x128xf32, #tpu.memory_space<hbm>> -> memref<1024x128xf32, #tpu.memory_space<hbm>>
    tpu.wait_indirect_dma semaphore(%arg7 : memref<!tpu.dma_semaphore, #tpu.memory_space<semaphore_mem>>) src(%dma_wait3A_78 : memref<1024x128xf32, #tpu.memory_space<hbm>>) dst(%dma_wait3A_72 : memref<128x128xf32, #tpu.memory_space<vmem>>)
    %mul3A_79 = arith.constant 1024 : i32
    %mul3A_80 = arith.muli %add3A, %mul3A_79 : i32
    %add3A_81 = arith.constant 0 : i32
    %add3A_82 = arith.addi %mul3A_80, %add3A_81 : i32
    "tpu.region"() ({
      %run_scoped3A = tpu.sem_alloc : memref<!tpu.dma_semaphore, #tpu.memory_space<semaphore_mem>>
      %dma_start3A_167 = arith.constant 0 : i32
      %dma_start3A_168 = tpu.memref_slice %arg4[%add3A_82, %dma_start3A_167] : memref<32768x128xf32, #tpu.memory_space<hbm>> -> memref<512x128xf32, #tpu.memory_space<hbm>>
      %dma_start3A_169 = arith.constant 0 : i32
      %dma_start3A_170 = tpu.memref_slice %arg4[%add3A_82, %dma_start3A_169] : memref<32768x128xf32, #tpu.memory_space<hbm>> -> memref<512x128xf32, #tpu.memory_space<hbm>>
      tpu.enqueue_dma source(%arg6 : memref<512x128xf32, #tpu.memory_space<vmem>>) target(%dma_start3A_170 : memref<512x128xf32, #tpu.memory_space<hbm>>) target_semaphore(%run_scoped3A : memref<!tpu.dma_semaphore, #tpu.memory_space<semaphore_mem>>)
      %dma_wait3A_171 = arith.constant 0 : i32
      %dma_wait3A_172 = tpu.memref_slice %arg4[%add3A_82, %dma_wait3A_171] : memref<32768x128xf32, #tpu.memory_space<hbm>> -> memref<512x128xf32, #tpu.memory_space<hbm>>
      %dma_wait3A_173 = arith.constant 0 : i32
      %dma_wait3A_174 = tpu.memref_slice %arg4[%add3A_82, %dma_wait3A_173] : memref<32768x128xf32, #tpu.memory_space<hbm>> -> memref<512x128xf32, #tpu.memory_space<hbm>>
      tpu.wait_dma2 semaphore(%run_scoped3A : memref<!tpu.dma_semaphore, #tpu.memory_space<semaphore_mem>>) src(%arg6 : memref<512x128xf32, #tpu.memory_space<vmem>>) dst(%dma_wait3A_174 : memref<512x128xf32, #tpu.memory_space<hbm>>)
      tpu.yield
    }) : () -> ()
    %dma_start3A_83 = arith.constant 4 : i32
    %dma_start3A_84 = arith.constant 0 : i32
    %dma_start3A_85 = arith.constant 0 : i32
    %dma_start3A_86 = tpu.memref_slice %arg6[%dma_start3A_84, %dma_start3A_85] : memref<512x128xf32, #tpu.memory_space<vmem>> -> memref<128x128xf32, #tpu.memory_space<vmem>>
    %dma_start3A_87 = arith.constant 0 : i32
    %dma_start3A_88 = tpu.memref_slice %arg5[%dma_start3A_83, %dma_start3A_87] : memref<8x128xi32, #tpu.memory_space<vmem>> -> memref<1x128xi32, #tpu.memory_space<vmem>>
    %dma_start3A_89 = tpu.memref_squeeze %dma_start3A_88 : memref<1x128xi32, #tpu.memory_space<vmem>> -> memref<128xi32, #tpu.memory_space<vmem>>
    %dma_start3A_90 = arith.constant 0 : i32
    %dma_start3A_91 = arith.constant 0 : i32
    %dma_start3A_92 = tpu.memref_slice %arg2[%dma_start3A_90, %dma_start3A_91] : memref<1024x128xf32, #tpu.memory_space<hbm>> -> memref<1024x128xf32, #tpu.memory_space<hbm>>
    tpu.enqueue_indirect_dma source(%dma_start3A_92 : memref<1024x128xf32, #tpu.memory_space<hbm>>) target(%dma_start3A_86 : memref<128x128xf32, #tpu.memory_space<vmem>>) offsets(%dma_start3A_89 : memref<128xi32, #tpu.memory_space<vmem>>) semaphore(%arg7 : memref<!tpu.dma_semaphore, #tpu.memory_space<semaphore_mem>>)
    %dma_start3A_93 = arith.constant 5 : i32
    %dma_start3A_94 = arith.constant 128 : i32
    %dma_start3A_95 = arith.constant 0 : i32
    %dma_start3A_96 = tpu.memref_slice %arg6[%dma_start3A_94, %dma_start3A_95] : memref<512x128xf32, #tpu.memory_space<vmem>> -> memref<128x128xf32, #tpu.memory_space<vmem>>
    %dma_start3A_97 = arith.constant 0 : i32
    %dma_start3A_98 = tpu.memref_slice %arg5[%dma_start3A_93, %dma_start3A_97] : memref<8x128xi32, #tpu.memory_space<vmem>> -> memref<1x128xi32, #tpu.memory_space<vmem>>
    %dma_start3A_99 = tpu.memref_squeeze %dma_start3A_98 : memref<1x128xi32, #tpu.memory_space<vmem>> -> memref<128xi32, #tpu.memory_space<vmem>>
    %dma_start3A_100 = arith.constant 0 : i32
    %dma_start3A_101 = arith.constant 0 : i32
    %dma_start3A_102 = tpu.memref_slice %arg2[%dma_start3A_100, %dma_start3A_101] : memref<1024x128xf32, #tpu.memory_space<hbm>> -> memref<1024x128xf32, #tpu.memory_space<hbm>>
    tpu.enqueue_indirect_dma source(%dma_start3A_102 : memref<1024x128xf32, #tpu.memory_space<hbm>>) target(%dma_start3A_96 : memref<128x128xf32, #tpu.memory_space<vmem>>) offsets(%dma_start3A_99 : memref<128xi32, #tpu.memory_space<vmem>>) semaphore(%arg7 : memref<!tpu.dma_semaphore, #tpu.memory_space<semaphore_mem>>)
    %dma_start3A_103 = arith.constant 6 : i32
    %dma_start3A_104 = arith.constant 256 : i32
    %dma_start3A_105 = arith.constant 0 : i32
    %dma_start3A_106 = tpu.memref_slice %arg6[%dma_start3A_104, %dma_start3A_105] : memref<512x128xf32, #tpu.memory_space<vmem>> -> memref<128x128xf32, #tpu.memory_space<vmem>>
    %dma_start3A_107 = arith.constant 0 : i32
    %dma_start3A_108 = tpu.memref_slice %arg5[%dma_start3A_103, %dma_start3A_107] : memref<8x128xi32, #tpu.memory_space<vmem>> -> memref<1x128xi32, #tpu.memory_space<vmem>>
    %dma_start3A_109 = tpu.memref_squeeze %dma_start3A_108 : memref<1x128xi32, #tpu.memory_space<vmem>> -> memref<128xi32, #tpu.memory_space<vmem>>
    %dma_start3A_110 = arith.constant 0 : i32
    %dma_start3A_111 = arith.constant 0 : i32
    %dma_start3A_112 = tpu.memref_slice %arg2[%dma_start3A_110, %dma_start3A_111] : memref<1024x128xf32, #tpu.memory_space<hbm>> -> memref<1024x128xf32, #tpu.memory_space<hbm>>
    tpu.enqueue_indirect_dma source(%dma_start3A_112 : memref<1024x128xf32, #tpu.memory_space<hbm>>) target(%dma_start3A_106 : memref<128x128xf32, #tpu.memory_space<vmem>>) offsets(%dma_start3A_109 : memref<128xi32, #tpu.memory_space<vmem>>) semaphore(%arg7 : memref<!tpu.dma_semaphore, #tpu.memory_space<semaphore_mem>>)
    %dma_start3A_113 = arith.constant 7 : i32
    %dma_start3A_114 = arith.constant 384 : i32
    %dma_start3A_115 = arith.constant 0 : i32
    %dma_start3A_116 = tpu.memref_slice %arg6[%dma_start3A_114, %dma_start3A_115] : memref<512x128xf32, #tpu.memory_space<vmem>> -> memref<128x128xf32, #tpu.memory_space<vmem>>
    %dma_start3A_117 = arith.constant 0 : i32
    %dma_start3A_118 = tpu.memref_slice %arg5[%dma_start3A_113, %dma_start3A_117] : memref<8x128xi32, #tpu.memory_space<vmem>> -> memref<1x128xi32, #tpu.memory_space<vmem>>
    %dma_start3A_119 = tpu.memref_squeeze %dma_start3A_118 : memref<1x128xi32, #tpu.memory_space<vmem>> -> memref<128xi32, #tpu.memory_space<vmem>>
    %dma_start3A_120 = arith.constant 0 : i32
    %dma_start3A_121 = arith.constant 0 : i32
    %dma_start3A_122 = tpu.memref_slice %arg2[%dma_start3A_120, %dma_start3A_121] : memref<1024x128xf32, #tpu.memory_space<hbm>> -> memref<1024x128xf32, #tpu.memory_space<hbm>>
    tpu.enqueue_indirect_dma source(%dma_start3A_122 : memref<1024x128xf32, #tpu.memory_space<hbm>>) target(%dma_start3A_116 : memref<128x128xf32, #tpu.memory_space<vmem>>) offsets(%dma_start3A_119 : memref<128xi32, #tpu.memory_space<vmem>>) semaphore(%arg7 : memref<!tpu.dma_semaphore, #tpu.memory_space<semaphore_mem>>)
    %dma_wait3A_123 = arith.constant 4 : i32
    %dma_wait3A_124 = arith.constant 0 : i32
    %dma_wait3A_125 = arith.constant 0 : i32
    %dma_wait3A_126 = tpu.memref_slice %arg6[%dma_wait3A_124, %dma_wait3A_125] : memref<512x128xf32, #tpu.memory_space<vmem>> -> memref<128x128xf32, #tpu.memory_space<vmem>>
    %dma_wait3A_127 = arith.constant 0 : i32
    %dma_wait3A_128 = tpu.memref_slice %arg5[%dma_wait3A_123, %dma_wait3A_127] : memref<8x128xi32, #tpu.memory_space<vmem>> -> memref<1x128xi32, #tpu.memory_space<vmem>>
    %dma_wait3A_129 = tpu.memref_squeeze %dma_wait3A_128 : memref<1x128xi32, #tpu.memory_space<vmem>> -> memref<128xi32, #tpu.memory_space<vmem>>
    %dma_wait3A_130 = arith.constant 0 : i32
    %dma_wait3A_131 = arith.constant 0 : i32
    %dma_wait3A_132 = tpu.memref_slice %arg2[%dma_wait3A_130, %dma_wait3A_131] : memref<1024x128xf32, #tpu.memory_space<hbm>> -> memref<1024x128xf32, #tpu.memory_space<hbm>>
    tpu.wait_indirect_dma semaphore(%arg7 : memref<!tpu.dma_semaphore, #tpu.memory_space<semaphore_mem>>) src(%dma_wait3A_132 : memref<1024x128xf32, #tpu.memory_space<hbm>>) dst(%dma_wait3A_126 : memref<128x128xf32, #tpu.memory_space<vmem>>)
    %dma_wait3A_133 = arith.constant 5 : i32
    %dma_wait3A_134 = arith.constant 128 : i32
    %dma_wait3A_135 = arith.constant 0 : i32
    %dma_wait3A_136 = tpu.memref_slice %arg6[%dma_wait3A_134, %dma_wait3A_135] : memref<512x128xf32, #tpu.memory_space<vmem>> -> memref<128x128xf32, #tpu.memory_space<vmem>>
    %dma_wait3A_137 = arith.constant 0 : i32
    %dma_wait3A_138 = tpu.memref_slice %arg5[%dma_wait3A_133, %dma_wait3A_137] : memref<8x128xi32, #tpu.memory_space<vmem>> -> memref<1x128xi32, #tpu.memory_space<vmem>>
    %dma_wait3A_139 = tpu.memref_squeeze %dma_wait3A_138 : memref<1x128xi32, #tpu.memory_space<vmem>> -> memref<128xi32, #tpu.memory_space<vmem>>
    %dma_wait3A_140 = arith.constant 0 : i32
    %dma_wait3A_141 = arith.constant 0 : i32
    %dma_wait3A_142 = tpu.memref_slice %arg2[%dma_wait3A_140, %dma_wait3A_141] : memref<1024x128xf32, #tpu.memory_space<hbm>> -> memref<1024x128xf32, #tpu.memory_space<hbm>>
    tpu.wait_indirect_dma semaphore(%arg7 : memref<!tpu.dma_semaphore, #tpu.memory_space<semaphore_mem>>) src(%dma_wait3A_142 : memref<1024x128xf32, #tpu.memory_space<hbm>>) dst(%dma_wait3A_136 : memref<128x128xf32, #tpu.memory_space<vmem>>)
    %dma_wait3A_143 = arith.constant 6 : i32
    %dma_wait3A_144 = arith.constant 256 : i32
    %dma_wait3A_145 = arith.constant 0 : i32
    %dma_wait3A_146 = tpu.memref_slice %arg6[%dma_wait3A_144, %dma_wait3A_145] : memref<512x128xf32, #tpu.memory_space<vmem>> -> memref<128x128xf32, #tpu.memory_space<vmem>>
    %dma_wait3A_147 = arith.constant 0 : i32
    %dma_wait3A_148 = tpu.memref_slice %arg5[%dma_wait3A_143, %dma_wait3A_147] : memref<8x128xi32, #tpu.memory_space<vmem>> -> memref<1x128xi32, #tpu.memory_space<vmem>>
    %dma_wait3A_149 = tpu.memref_squeeze %dma_wait3A_148 : memref<1x128xi32, #tpu.memory_space<vmem>> -> memref<128xi32, #tpu.memory_space<vmem>>
    %dma_wait3A_150 = arith.constant 0 : i32
    %dma_wait3A_151 = arith.constant 0 : i32
    %dma_wait3A_152 = tpu.memref_slice %arg2[%dma_wait3A_150, %dma_wait3A_151] : memref<1024x128xf32, #tpu.memory_space<hbm>> -> memref<1024x128xf32, #tpu.memory_space<hbm>>
    tpu.wait_indirect_dma semaphore(%arg7 : memref<!tpu.dma_semaphore, #tpu.memory_space<semaphore_mem>>) src(%dma_wait3A_152 : memref<1024x128xf32, #tpu.memory_space<hbm>>) dst(%dma_wait3A_146 : memref<128x128xf32, #tpu.memory_space<vmem>>)
    %dma_wait3A_153 = arith.constant 7 : i32
    %dma_wait3A_154 = arith.constant 384 : i32
    %dma_wait3A_155 = arith.constant 0 : i32
    %dma_wait3A_156 = tpu.memref_slice %arg6[%dma_wait3A_154, %dma_wait3A_155] : memref<512x128xf32, #tpu.memory_space<vmem>> -> memref<128x128xf32, #tpu.memory_space<vmem>>
    %dma_wait3A_157 = arith.constant 0 : i32
    %dma_wait3A_158 = tpu.memref_slice %arg5[%dma_wait3A_153, %dma_wait3A_157] : memref<8x128xi32, #tpu.memory_space<vmem>> -> memref<1x128xi32, #tpu.memory_space<vmem>>
    %dma_wait3A_159 = tpu.memref_squeeze %dma_wait3A_158 : memref<1x128xi32, #tpu.memory_space<vmem>> -> memref<128xi32, #tpu.memory_space<vmem>>
    %dma_wait3A_160 = arith.constant 0 : i32
    %dma_wait3A_161 = arith.constant 0 : i32
    %dma_wait3A_162 = tpu.memref_slice %arg2[%dma_wait3A_160, %dma_wait3A_161] : memref<1024x128xf32, #tpu.memory_space<hbm>> -> memref<1024x128xf32, #tpu.memory_space<hbm>>
    tpu.wait_indirect_dma semaphore(%arg7 : memref<!tpu.dma_semaphore, #tpu.memory_space<semaphore_mem>>) src(%dma_wait3A_162 : memref<1024x128xf32, #tpu.memory_space<hbm>>) dst(%dma_wait3A_156 : memref<128x128xf32, #tpu.memory_space<vmem>>)
    %mul3A_163 = arith.constant 1024 : i32
    %mul3A_164 = arith.muli %add3A, %mul3A_163 : i32
    %add3A_165 = arith.constant 512 : i32
    %add3A_166 = arith.addi %mul3A_164, %add3A_165 : i32
    "tpu.region"() ({
      %run_scoped3A = tpu.sem_alloc : memref<!tpu.dma_semaphore, #tpu.memory_space<semaphore_mem>>
      %dma_start3A_167 = arith.constant 0 : i32
      %dma_start3A_168 = tpu.memref_slice %arg4[%add3A_166, %dma_start3A_167] : memref<32768x128xf32, #tpu.memory_space<hbm>> -> memref<512x128xf32, #tpu.memory_space<hbm>>
      %dma_start3A_169 = arith.constant 0 : i32
      %dma_start3A_170 = tpu.memref_slice %arg4[%add3A_166, %dma_start3A_169] : memref<32768x128xf32, #tpu.memory_space<hbm>> -> memref<512x128xf32, #tpu.memory_space<hbm>>
      tpu.enqueue_dma source(%arg6 : memref<512x128xf32, #tpu.memory_space<vmem>>) target(%dma_start3A_170 : memref<512x128xf32, #tpu.memory_space<hbm>>) target_semaphore(%run_scoped3A : memref<!tpu.dma_semaphore, #tpu.memory_space<semaphore_mem>>)
      %dma_wait3A_171 = arith.constant 0 : i32
      %dma_wait3A_172 = tpu.memref_slice %arg4[%add3A_166, %dma_wait3A_171] : memref<32768x128xf32, #tpu.memory_space<hbm>> -> memref<512x128xf32, #tpu.memory_space<hbm>>
      %dma_wait3A_173 = arith.constant 0 : i32
      %dma_wait3A_174 = tpu.memref_slice %arg4[%add3A_166, %dma_wait3A_173] : memref<32768x128xf32, #tpu.memory_space<hbm>> -> memref<512x128xf32, #tpu.memory_space<hbm>>
      tpu.wait_dma2 semaphore(%run_scoped3A : memref<!tpu.dma_semaphore, #tpu.memory_space<semaphore_mem>>) src(%arg6 : memref<512x128xf32, #tpu.memory_space<vmem>>) dst(%dma_wait3A_174 : memref<512x128xf32, #tpu.memory_space<hbm>>)
      tpu.yield
    }) : () -> ()
    return
  }
}

module attributes {stable_mosaic.version = 14 : i64} {
  func.func @_tc_body(%arg0: i32, %arg1: memref<64x8192xf32, #tpu.memory_space<vmem>>, %arg2: memref<1024x64xf32, #tpu.memory_space<vmem>>, %arg3: memref<1x1x8192xi32, #tpu.memory_space<vmem>>, %arg4: memref<1x1xf32, #tpu.memory_space<vmem>>) attributes {dimension_semantics = [#tpu.dimension_semantics<arbitrary>], iteration_bounds = array<i64: 4>, scalar_prefetch = 0 : i64, scratch_operands = 0 : i64, tpu.core_type = #tpu.core_type<tc>, window_params = [{transform_indices = @transform_0, window_bounds = array<i64: 64, 8192>}, {pipeline_mode = #tpu.pipeline_mode<synchronous>, transform_indices = @transform_1, window_bounds = array<i64: 1024, 64>}, {transform_indices = @transform_2, window_bounds = array<i64: 1, 1, 8192>}, {pipeline_mode = #tpu.pipeline_mode<synchronous>, transform_indices = @transform_3, window_bounds = array<i64: 1, 1>}]} {
    %get3A = arith.constant 0 : index
    %get3A_0 = arith.constant 0 : index
    %get3A_1 = vector.load %arg1[%get3A, %get3A_0] : memref<64x8192xf32, #tpu.memory_space<vmem>>, vector<64x8192xf32>
    %get3A_2 = arith.constant 0 : index
    %get3A_3 = arith.constant 0 : index
    %get3A_4 = vector.load %arg2[%get3A_2, %get3A_3] : memref<1024x64xf32, #tpu.memory_space<vmem>>, vector<1024x64xf32>
    %mul3A = arith.mulf %get3A_4, %get3A_4 : vector<1024x64xf32>
    %reduce_sum3A = arith.constant dense<0.000000e+00> : vector<1024xf32>
    %reduce_sum3A_5 = vector.multi_reduction <add>, %mul3A, %reduce_sum3A [1] : vector<1024x64xf32> to vector<1024xf32>
    %broadcast_in_dim3A = vector.shape_cast %reduce_sum3A_5 : vector<1024xf32> to vector<1024x1xf32>
    %mul3A_6 = arith.constant 2.500000e-01 : f32
    %mul3A_7 = vector.broadcast %mul3A_6 : f32 to vector<1024x1xf32>
    %mul3A_8 = arith.mulf %mul3A_7, %broadcast_in_dim3A : vector<1024x1xf32>
    %mul3A_9 = arith.mulf %get3A_1, %get3A_1 : vector<64x8192xf32>
    %reduce_sum3A_10 = arith.constant dense<0.000000e+00> : vector<8192xf32>
    %reduce_sum3A_11 = vector.multi_reduction <add>, %mul3A_9, %reduce_sum3A_10 [0] : vector<64x8192xf32> to vector<8192xf32>
    %broadcast_in_dim3A_12 = vector.shape_cast %reduce_sum3A_11 : vector<8192xf32> to vector<1x8192xf32>
    %dot_general3A = arith.constant dense<0.000000e+00> : vector<1024x8192xf32>
    %dot_general3A_13 = tpu.matmul %get3A_4, %get3A_1, %dot_general3A {dimension_numbers = #tpu.dot_dimension_numbers<[1], [0], [0], [1], [0, 0, 1, 1], [], []>, transpose_lhs_hint = false} : vector<1024x64xf32>, vector<64x8192xf32>, vector<1024x8192xf32> -> vector<1024x8192xf32>
    %add3A = vector.broadcast %broadcast_in_dim3A_12 : vector<1x8192xf32> to vector<1024x8192xf32>
    %add3A_14 = vector.broadcast %mul3A_8 : vector<1024x1xf32> to vector<1024x8192xf32>
    %add3A_15 = arith.addf %add3A, %add3A_14 : vector<1024x8192xf32>
    %add3A_16 = arith.addf %add3A_15, %dot_general3A_13 : vector<1024x8192xf32>
    %reduce_min3A = arith.constant dense<0x7F800000> : vector<8192xf32>
    %reduce_min3A_17 = vector.multi_reduction <minimumf>, %add3A_16, %reduce_min3A [0] : vector<1024x8192xf32> to vector<8192xf32>
    %iota3A = tpu.iota {dimensions = array<i32: 0>} : vector<1024x8192xi32>
    %convert_element_type3A = arith.sitofp %iota3A : vector<1024x8192xi32> to vector<1024x8192xf32>
    %broadcast_in_dim3A_18 = vector.shape_cast %reduce_min3A_17 : vector<8192xf32> to vector<1x8192xf32>
    %eq3A = vector.broadcast %broadcast_in_dim3A_18 : vector<1x8192xf32> to vector<1024x8192xf32>
    %eq3A_19 = arith.cmpf oeq, %add3A_16, %eq3A : vector<1024x8192xf32>
    %jit3A = arith.constant 1.024000e+03 : f32
    %broadcast_in_dim3A_20 = vector.broadcast %jit3A : f32 to vector<1024x8192xf32>
    %select_n3A = arith.select %eq3A_19, %convert_element_type3A, %broadcast_in_dim3A_20 : vector<1024x8192xi1>, vector<1024x8192xf32>
    %reduce_min3A_21 = arith.constant dense<0x7F800000> : vector<8192xf32>
    %reduce_min3A_22 = vector.multi_reduction <minimumf>, %select_n3A, %reduce_min3A_21 [0] : vector<1024x8192xf32> to vector<8192xf32>
    %convert_element_type3A_23 = arith.fptosi %reduce_min3A_22 : vector<8192xf32> to vector<8192xi32>
    %swap3A = arith.constant 0 : index
    %swap3A_24 = arith.constant 0 : index
    %swap3A_25 = arith.constant 0 : index
    %swap3A_26 = vector.load %arg3[%swap3A, %swap3A_24, %swap3A_25] : memref<1x1x8192xi32, #tpu.memory_space<vmem>>, vector<1x1x8192xi32>
    %swap3A_27 = vector.shape_cast %swap3A_26 : vector<1x1x8192xi32> to vector<8192xi32>
    %swap3A_28 = vector.shape_cast %convert_element_type3A_23 : vector<8192xi32> to vector<1x1x8192xi32>
    tpu.vector_store %arg3[%swap3A, %swap3A_24, %swap3A_25], %swap3A_28 {strides = array<i32>} : memref<1x1x8192xi32, #tpu.memory_space<vmem>>, vector<1x1x8192xi32>,
    %reduce_sum3A_29 = vector.shape_cast %reduce_min3A_17 : vector<8192xf32> to vector<1x8192xf32>
    %reduce_sum3A_30 = arith.constant dense<0.000000e+00> : vector<1xf32>
    %reduce_sum3A_31 = vector.multi_reduction <add>, %reduce_sum3A_29, %reduce_sum3A_30 [1] : vector<1x8192xf32> to vector<1xf32>
    %reduce_sum3A_32 = vector.shape_cast %reduce_sum3A_31 : vector<1xf32> to vector<1x1xf32>
    %reduce_sum3A_33 = vector.extract %reduce_sum3A_32[0, 0] : f32 from vector<1x1xf32>
    %mul3A_34 = arith.constant 5.96046448E-7 : f32
    %mul3A_35 = arith.mulf %reduce_sum3A_33, %mul3A_34 : f32
    %reshape3A = vector.broadcast %mul3A_35 : f32 to vector<1x1xf32>
    %eq3A_36 = arith.constant 0 : i32
    %eq3A_37 = arith.cmpi eq, %arg0, %eq3A_36 : i32
    %convert_element_type3A_38 = arith.extui %eq3A_37 : i1 to i32
    %cond3A = arith.constant 0 : i32
    %cond3A_39 = arith.cmpi ne, %convert_element_type3A_38, %cond3A : i32
    scf.if %cond3A_39 {
      %broadcast_in_dim3A_47 = arith.constant 0.000000e+00 : f32
      %broadcast_in_dim3A_48 = vector.broadcast %broadcast_in_dim3A_47 : f32 to vector<1x1xf32>
      %swap3A_49 = arith.constant 0 : index
      %swap3A_50 = arith.constant 0 : index
      %swap3A_51 = vector.load %arg4[%swap3A_49, %swap3A_50] : memref<1x1xf32, #tpu.memory_space<vmem>>, vector<1x1xf32>
      tpu.vector_store %arg4[%swap3A_49, %swap3A_50], %broadcast_in_dim3A_48 {strides = array<i32>} : memref<1x1xf32, #tpu.memory_space<vmem>>, vector<1x1xf32>,
    } else {
    }
    %get3A_40 = arith.constant 0 : index
    %get3A_41 = arith.constant 0 : index
    %get3A_42 = vector.load %arg4[%get3A_40, %get3A_41] : memref<1x1xf32, #tpu.memory_space<vmem>>, vector<1x1xf32>
    %add3A_43 = arith.addf %get3A_42, %reshape3A : vector<1x1xf32>
    %swap3A_44 = arith.constant 0 : index
    %swap3A_45 = arith.constant 0 : index
    %swap3A_46 = vector.load %arg4[%swap3A_44, %swap3A_45] : memref<1x1xf32, #tpu.memory_space<vmem>>, vector<1x1xf32>
    tpu.vector_store %arg4[%swap3A_44, %swap3A_45], %add3A_43 {strides = array<i32>} : memref<1x1xf32, #tpu.memory_space<vmem>>, vector<1x1xf32>,
    return
  }
  func.func @transform_0(%arg0: i32) -> (i32, i32) {
    %c0_i32 = arith.constant 0 : i32
    %c0_i32_0 = arith.constant 0 : i32
    return %c0_i32, %arg0 : i32, i32
  }
  func.func @transform_1(%arg0: i32) -> (i32, i32) {
    %c0_i32 = arith.constant 0 : i32
    %c0_i32_0 = arith.constant 0 : i32
    %c0_i32_1 = arith.constant 0 : i32
    return %c0_i32, %c0_i32_0 : i32, i32
  }
  func.func @transform_2(%arg0: i32) -> (i32, i32, i32) {
    %c0_i32 = arith.constant 0 : i32
    %c0_i32_0 = arith.constant 0 : i32
    %c0_i32_1 = arith.constant 0 : i32
    return %arg0, %c0_i32, %c0_i32_0 : i32, i32, i32
  }
  func.func @transform_3(%arg0: i32) -> (i32, i32) {
    %c0_i32 = arith.constant 0 : i32
    %c0_i32_0 = arith.constant 0 : i32
    %c0_i32_1 = arith.constant 0 : i32
    return %c0_i32, %c0_i32_0 : i32, i32
  }
}

</mosaic_0001>

<sc_bundles>
// kernel: kernel.4.cloned.1.call-start
scs
__scs_entry_jumppad:
0x0: {  	(pc) =	sbr.rel $0x88, $3  }
0x1: {  	(tag) =	ssettag $0x0;
	lr =	simm.s32 $0x1  }
0x2: {  	[smem:$0x3F9F] =	sst lr;
	_ =	strace $0xD0000000  }
0x3: {  	_ = 	snop  }
0x4: {  	_ = 	snop  }
0x5: {  	_ = 	snop  }
0x6: {  	_ = 	snop  }
0x7: {  	_ = 	snop  }
__scs_overlays_trampoline_lowered:
0x8: {  	[smem:$0x3FAE] =	sst s0  }
0x9: {  	[smem:$0x3FAF] =	sst s1  }
0xa: {  	[smem:$0x3FB0] =	sst s2  }
0xb: {  	[smem:$0x3FB1] =	sst s3  }
0xc: {  	[smem:$0x3FB2] =	sst s4  }
0xd: {  	[smem:$0x3FB3] =	sst s5  }
0xe: {  	[smem:$0x3FB4] =	sst s6  }
0xf: {  	[smem:$0x3FB5] =	sst s7  }
0x10: {  	[smem:$0x3FB6] =	sst s8  }
0x11: {  	[smem:$0x3FB7] =	sst s9;
	s0 =	simm.s32 @!p0 $0x0  }
0x12: {  	s1 =	sld [smem:$0x3F9D];
	s0 =	simm.s32 @p0 $0x1  }
0x13: {  	[smem:$0x3FB8] =	sst s0;
	s0 =	simm.s32 @!p1 $0x0  }
0x14: {  	s2 =	sld [smem:$0x3F9C];
	s0 =	simm.s32 @p1 $0x1  }
0x15: {  	[smem:$0x3FB9] =	sst s0;
	s0 =	simm.s32 @!p2 $0x0  }
0x16: {  	s3 =	sld [smem:$0x3FDB];
	s0 =	simm.s32 @p2 $0x1  }
0x17: {  	s4 =	simm.s32 $0x1BF5;
	[smem:$0x3FBB] =	sst s0  }
0x18: {  	s0 =	sld [smem:$0x3F9E];
	_ =	swait.ge [sflag:s4], $0x0  }
0x19: {  	s7 =	sld [smem:$0x3F9F]  }
0x1a: {  	s8 =	sadd.s32 $0xFFFFE003, lr  }
0x1b: {  	s9 =	sadd.s32 $0xFFFFFEF7, lr;
	s5 =	simm.s32 $0xFFFFFFFF;
	p2 =	slt.u32 s8, $0xFFFFF086  }
0x1c: {  	p1 =	slt.u32 s9, $0xF7A;
	s5 =	simm.s32 @!p2 $0x0  }
0x1d: {  	s5 =	simm.s32 @p1 $0x1;
	p0 =	seq.s32 s7, s2  }
0x1e: {  	s7 =	smul.u32 @!p0 $0xF7A, s2;
	p2 =	seq.s32 @!p0 s5, $0x0  }
0x1f: {  	s9 =	smul.u32 $0xF7A, s1;
	s8 =	simm.s32 @!p0 $0x1BF5;
	p2 =	por !p2, p0  }
0x20: {  	[sflag:s8] =	ssyncset.s32 @!p0 $0xFFFFF086;
	s6 =	sadd.s32 @!p0 s3, s7;
	s7 =	simm.s32 @!p0 $0x108  }
0x21: {  	s3 =	sadd.s32 s3, s9;
	s6 =	sadd.s32 @!p0 $0x88, s6;
	s7 =	simm.s32 @p2 $0x1082  }
0x22: {  	[simem:s7], [sflag:s8] =	dma.local @!p0 [hbm:s6], $0xF7A  }
0x23: {  	s9 =	sor.u32 $0xD0000000, s2;
	s6 =	simm.s32 $0x108;
	_ =	swait.ge @!p0 [sflag:s8], $0x0  }
0x24: {  	s3 =	sadd.s32 $0x88, s3;
	s6 =	simm.s32 @!p1 $0x1082;
	[sflag:s4] =	ssyncset.s32 $0xFFFFF086  }
0x25: {  	[simem:s6], [sflag:s4] =	dma.local [hbm:s3], $0xF7A  }
0x26: {  	[smem:$0x3F9F] =	sst s1;
	(tag) =	ssettag s2;
	_ =	strace s9  }
0x27: {  	s1 =	sld [smem:$0x3FAF]  }
0x28: {  	s2 =	sld [smem:$0x3FB0]  }
0x29: {  	s4 =	sld [smem:$0x3FB2]  }
0x2a: {  	p0 =	seq.s32 s5, $0x0;
	s5 =	sld [smem:$0x3FB3]  }
0x2b: {  	s6 =	sld [smem:$0x3FB4]  }
0x2c: {  	s7 =	sld [smem:$0x3FB5]  }
0x2d: {  	s3 =	simm.s32 $0x108;
	s8 =	sld [smem:$0x3FB6]  }
0x2e: {  	s3 =	simm.s32 @!p0 $0x1082;
	s9 =	sld [smem:$0x3FB7]  }
0x2f: {  	lr =	sadd.s32 s0, s3;
	s0 =	sld [smem:$0x3FAE]  }
0x30: {  	s3 =	sld [smem:$0x3FB1]  }
0x31: {  	[smem:$0x3FBA] =	sst s10  }
0x32: {  	s10 =	sld [smem:$0x3FB8];
	_ =	sdelay $0x3  }
0x33: {  	p0 =	seq.s32 s10, $0x1;
	s10 =	sld [smem:$0x3FBA];
	_ =	sdelay $0x3  }
0x34: {  	[smem:$0x3FBA] =	sst s10  }
0x35: {  	s10 =	sld [smem:$0x3FB9];
	_ =	sdelay $0x3  }
0x36: {  	p1 =	seq.s32 s10, $0x1;
	s10 =	sld [smem:$0x3FBA];
	_ =	sdelay $0x3  }
0x37: {  	[smem:$0x3FBA] =	sst s10  }
0x38: {  	s10 =	sld [smem:$0x3FBB]  }
0x39: {  	_ = 	snop;
	(pc) =	sbr.ind lr, $3  }
0x3a: {  	_ = 	snop  }
0x3b: {  	_ = 	snop  }
0x3c: {  	p2 =	seq.s32 s10, $0x1;
	s10 =	sld [smem:$0x3FBA]  }
0x3d: {  	_ =	shalt  }
0x3e: {  	_ =	shalt  }
0x3f: {  	_ =	shalt  }
0x40: {  	_ =	shalt  }
0x41: {  	_ =	shalt  }
0x42: {  	_ =	shalt  }
0x43: {  	_ =	shalt  }
0x44: {  	_ =	shalt  }
0x45: {  	_ =	shalt  }
0x46: {  	_ =	shalt  }
0x47: {  	_ =	shalt  }
0x48: {  	_ =	shalt  }
0x49: {  	_ =	shalt  }
0x4a: {  	_ =	shalt  }
0x4b: {  	_ =	shalt  }
0x4c: {  	_ =	shalt  }
0x4d: {  	_ =	shalt  }
0x4e: {  	_ =	shalt  }
0x4f: {  	_ =	shalt  }
0x50: {  	_ =	shalt  }
0x51: {  	_ =	shalt  }
0x52: {  	_ =	shalt  }
0x53: {  	_ =	shalt  }
0x54: {  	_ =	shalt  }
0x55: {  	_ =	shalt  }
0x56: {  	_ =	shalt  }
0x57: {  	_ =	shalt  }
0x58: {  	_ =	shalt  }
0x59: {  	_ =	shalt  }
0x5a: {  	_ =	shalt  }
0x5b: {  	_ =	shalt  }
0x5c: {  	_ =	shalt  }
0x5d: {  	_ =	shalt  }
0x5e: {  	_ =	shalt  }
0x5f: {  	_ =	shalt  }
0x60: {  	_ =	shalt  }
0x61: {  	_ =	shalt  }
0x62: {  	_ =	shalt  }
0x63: {  	_ =	shalt  }
0x64: {  	_ =	shalt  }
0x65: {  	_ =	shalt  }
0x66: {  	_ =	shalt  }
0x67: {  	_ =	shalt  }
0x68: {  	_ =	shalt  }
0x69: {  	_ =	shalt  }
0x6a: {  	_ =	shalt  }
0x6b: {  	_ =	shalt  }
0x6c: {  	_ =	shalt  }
0x6d: {  	_ =	shalt  }
0x6e: {  	_ =	shalt  }
0x6f: {  	_ =	shalt  }
0x70: {  	_ =	shalt  }
0x71: {  	_ =	shalt  }
0x72: {  	_ =	shalt  }
0x73: {  	_ =	shalt  }
0x74: {  	_ =	shalt  }
0x75: {  	_ =	shalt  }
0x76: {  	_ =	shalt  }
0x77: {  	_ =	shalt  }
0x78: {  	_ =	shalt  }
0x79: {  	_ =	shalt  }
0x7a: {  	_ =	shalt  }
0x7b: {  	_ =	shalt  }
0x7c: {  	_ =	shalt  }
0x7d: {  	_ =	shalt  }
0x7e: {  	_ =	shalt  }
0x7f: {  	_ =	shalt  }
0x80: {  	_ =	shalt  }
0x81: {  	_ =	shalt  }
0x82: {  	_ =	shalt  }
0x83: {  	_ =	shalt  }
0x84: {  	_ =	shalt  }
0x85: {  	_ =	shalt  }
0x86: {  	_ =	shalt  }
0x87: {  	_ =	shalt  }
.Lfunc_end0:
.L_simem_size_0:
called_computation_lowered:
.L_overlay_start_0:
0x88: {  	s2 =	sld [smem:$0x3FD9]  }
0x89: {  	s3 =	sld [smem:$0x3FFE];
	_ =	sdelay $0x1  }
0x8a: {  	s1 =	srdreg.scid  }
0x8b: {  	s0 =	sand.u32 $0x1, s1  }
0x8c: {  	s14 =	sshll.u32 s0, $0xA;
	s2 =	sadd.s32 s3, s2  }
0x8d: {  	s2 =	sadd.s32 s2, s14  }
0x8e: {  	[smem:$0x3FC6] =	sst s2  }
0x8f: {  	_ = 	snop  }
0x90: {  	s2 =	sld [smem:$0x3FD0];
	_ =	sdelay $0x2  }
0x91: {  	s15 =	simm.s32 $0xA;
	s4 =	simm.s32 $0x10  }
0x92: {  	[smem:s4], [sflag:s15] =	dma.local [hbm:s2], $0x1  }
0x93: {  	_ =	swait.eq [sflag:s15], $0x1  }
0x94: {  	[sflag:s15] =	ssyncset.done $0x0  }
0x95: {  	[sflag:s15] =	ssyncadd.s32 $0xFFFFFFFF  }
0x96: {  	s16 =	sld [smem:$0x11];
	(tm) =	ssettm $0x1  }
0x97: {  	s17 =	sld [smem:$0x3FFB];
	_ =	sdelay $0x3  }
0x98: {  	_ =	strace s17  }
0x99: {  	s3 =	sld [smem:$0x3FFC];
	_ =	sdelay $0x3  }
0x9a: {  	_ =	strace s3  }
0x9b: {  	s3 =	sld [smem:$0x3FFD];
	_ =	sdelay $0x3  }
0x9c: {  	_ =	strace s3  }
0x9d: {  	_ =	strace $0x8FFFFFFF  }
0x9e: {  	s18 =	sld [smem:$0x3FDB];
	_ =	sdelay $0x1  }
0x9f: {  	s19 =	simm.s32 $_scs_section_size  }
0xa0: {  	s5 =	simm.s32 $_size__tile_overlayer_lowered;
	s6 =	simm.s32 $_tile_overlayer_lowered  }
0xa1: {  	s22 =	simm.s32 $0x1BFF;
	s21 =	sshll.u32 s6, $0x1;
	s3 =	sadd.s32 s19, s18  }
0xa2: {  	s7 =	simm.s32 $0x0;
	s20 =	sshll.u32 s5, $0x1;
	s5 =	sadd.s32 s21, s3  }
0xa3: {  	[timem:s7], [sflag:s22] =	dma.local [hbm:s5], s20  }
0xa4: {  	_ =	swait.ge [sflag:s22], s20  }
0xa5: {  	s4 =	ssub.s32 $0x0, s20;
	[sflag:s22] =	ssyncset.done $0x0  }
0xa6: {  	[sflag:s22] =	ssyncadd.s32 s4;
	_ =	sdelay $0x1  }
0xa7: {  	s23 =	simm.s32 $0x1B8B  }
0xa8: {  	_ =	swait.ge [sflag:s23], $0x1  }
0xa9: {  	[sflag:s23] =	ssyncset.done $0x0  }
0xaa: {  	s25 =	simm.s32 $0x1B8E;
	s24 =	sld [smem:$0x3FFE];
	[sflag:s23] =	ssyncadd.s32 $0xFFFFFFFF  }
0xab: {  	s26 =	simm.s32 $execute0_lowered;
	[smem:$0x3FD2] =	sst s25  }
0xac: {  	s5 =	sshll.u32 s26, $0x1;
	_ =	strace $0x80000046;
	[dreg:$0x1] =	wrdreg $0xFFFFFFFF  }
0xad: {  	s28 =	simm.s32 $_size_execute0_lowered;
	s3 =	sadd.s32 s3, s5;
	[dreg:$0x0] =	wrdreg $0x0  }
0xae: {  	s5 =	sshll.u32 s28, $0x1;
	[dreg:$0x2] =	wrdreg s3  }
0xaf: {  	[dreg:$0x3] =	wrdreg s5  }
0xb0: {  	[dreg:$0x4] =	wrdreg $0xC0  }
0xb1: {  	_ =	task [dreg:s7], $0x5FFFF  }
0xb2: {  	[dreg:$0x1] =	wrdreg $0xFFFFFFFF  }
0xb3: {  	[dreg:$0x0] =	wrdreg $0x60  }
0xb4: {  	[dreg:$0x2] =	wrdreg s16  }
0xb5: {  	[dreg:$0x3] =	wrdreg s24  }
0xb6: {  	[dreg:$0x4] =	wrdreg $0x9  }
0xb7: {  	_ =	task.clear_ibuf [dreg:s7], $0x5FFFF;
	_ =	strace $0x90000046  }
0xb8: {  	s29 =	simm.s32 $0x9;
	_ =	strace $0x80000048  }
0xb9: {  	_ =	swait.ge [sflag:s29], $0x1  }
0xba: {  	[sflag:s29] =	ssyncadd.s32 $0xFFFFFFFF  }
0xbb: {  	_ =	strace $0x90000048  }
0xbc: {  	_ =	sfence  }
0xbd: {  	s30 =	sld [smem:$0x0];
	_ =	sdelay $0x2  }
0xbe: {  	s31 =	sshll.u32 s1, $0xD;
	s1 =	sshrl.u32 s1, $0x2  }
0xbf: {  	s3 =	sand.u32 $0x4000, s31;
	s1 =	sadd.s32 s1, s30  }
0xc0: {  	s0 =	sor.u32 s3, s0;
	s1 =	sshll.u32 s1, $0x11  }
0xc1: {  	s0 =	sor.u32 s1, s0  }
0xc2: {  	s0 =	sadd.s32 $0x8F2B, s0  }
0xc3: {  	[sflag:s0] =	ssyncadd.remote.s32 $0x1  }
0xc4: {  	_ =	sfence.sel $0xFFFF  }
0xc5: {  	[dreg:$0x0] =	wrdreg $0xFFFFFFFF;
	(pc) =	sbr.abs _section_cstart, $3  }
0xc6: {  	[dreg:$0x1] =	wrdreg $0xFFFFFFFF  }
0xc7: {  	_ =	task.clear_ibuf [dreg:s7], $0x2FFFF;
	_ =	strace $0x9FFFFFFF  }
0xc8: {  	(tm) =	ssettm $0x7FFFFFFF  }
0xc9: {  	_ =	shalt  }
tec
execute0_lowered:
.L_overlay_start_1:
0x0: {  	(tag) =	ssettag $0x1  }
0x1: {  	s1 =	srdreg.scid  }
0x2: {  	s0 =	stileid.u32;
	s19 =	sand.u32 $0x1, s1  }
0x3: {  	s2 =	rddreg [dreg:$0x0];
	s30 =	sshll.u32 s0, $0xB;
	s3 =	sshll.u32 s19, $0xA  }
0x4: {  	s14 =	rddreg [dreg:$0x1];
	s15 =	sor.u32 s3, s30  }
0x5: {  	s1 =	rddreg [dreg:$0x2];
	s3 =	simm.s32 $0x0;
	s4 =	sshrl.u32 s15, $0x3  }
0x6: {  	[smem:$0x7FF] =	sst s3;
	s4 =	sadd.s32 s4, s14  }
0x7: {  	_ =	strace $0x80000047;
	s5 =	sadd.s32 $0x600, s4;
	s4 =	simm.s32 $0x2  }
0x8: {  	[tilespmem:s3], [sflag:$0x2] =	stream.linear.gather [hbm4b:s5+s3], $0x400, $0x38;
	[tilespmem:$0x10400] =	vst v63  }
0x9: {  	_ =	swait.ge [sflag:s4], $0x400  }
0xa: {  	[sflag:s4] =	ssyncset.done $0x0  }
0xb: {  	s6 =	simm.s32 $0x80;
	s7 =	simm.s32 $0x400;
	[sflag:s4] =	ssyncadd.s32 $0xFFFFFC00  }
0xc: {  	[tilespmem:s7], [sflag:$0x1] =	stream.indirect.gather [hbm4b:s2+s6], $0x80, s3, s6, $0xb8;
	[tilespmem:$0x10400] =	vst v63  }
0xd: {  	s8 =	simm.s32 $0x4400  }
0xe: {  	[tilespmem:s8], [sflag:$0x1] =	stream.indirect.gather [hbm4b:s2+s6], $0x80, s6, s6, $0xb8;
	[tilespmem:$0x10400] =	vst v63  }
0xf: {  	s9 =	simm.s32 $0x100;
	s10 =	simm.s32 $0x8400  }
0x10: {  	[tilespmem:s10], [sflag:$0x1] =	stream.indirect.gather [hbm4b:s2+s6], $0x80, s9, s6, $0xb8;
	[tilespmem:$0x10400] =	vst v63  }
0x11: {  	s11 =	simm.s32 $0x180;
	s12 =	simm.s32 $0xC400;
	s13 =	simm.s32 $0x1  }
0x12: {  	[tilespmem:s12], [sflag:$0x1] =	stream.indirect.gather [hbm4b:s2+s6], $0x80, s11, s6, $0xb8;
	[tilespmem:$0x10400] =	vst v63  }
0x13: {  	_ =	swait.ge [sflag:s13], $0x4000  }
0x14: {  	[sflag:s13] =	ssyncset.done $0x0  }
0x15: {  	[sflag:s13] =	ssyncadd.s32 $0xFFFFC000  }
0x16: {  	_ =	swait.ge [sflag:s13], $0x4000  }
0x17: {  	[sflag:s13] =	ssyncset.done $0x0  }
0x18: {  	[sflag:s13] =	ssyncadd.s32 $0xFFFFC000  }
0x19: {  	_ =	swait.ge [sflag:s13], $0x4000  }
0x1a: {  	[sflag:s13] =	ssyncset.done $0x0  }
0x1b: {  	[sflag:s13] =	ssyncadd.s32 $0xFFFFC000  }
0x1c: {  	s15 =	sshll.u32 s15, $0x4;
	_ =	swait.ge [sflag:s13], $0x4000  }
0x1d: {  	s20 =	sadd.s32 s15, s14;
	[sflag:s13] =	ssyncset.done $0x0  }
0x1e: {  	s14 =	sadd.s32 $0x1600, s20;
	[sflag:s13] =	ssyncadd.s32 $0xFFFFC000  }
0x1f: {  	[hbm4b:s14+s3] =	stream.linear.scatter [tilespmem:s7], [sflag:$0x2], $0x10000, $0x38;
	[tilespmem:$0x10400] =	vst v63  }
0x20: {  	_ =	swait.ge [sflag:s4], $0x10000  }
0x21: {  	[sflag:s4] =	ssyncset.done $0x0  }
0x22: {  	s15 =	simm.s32 $0x200;
	[sflag:s4] =	ssyncadd.s32 $0xFFFF0000  }
0x23: {  	[tilespmem:s7], [sflag:$0x1] =	stream.indirect.gather [hbm4b:s2+s6], $0x80, s15, s6, $0xb8;
	[tilespmem:$0x10400] =	vst v63  }
0x24: {  	s16 =	simm.s32 $0x280  }
0x25: {  	[tilespmem:s8], [sflag:$0x1] =	stream.indirect.gather [hbm4b:s2+s6], $0x80, s16, s6, $0xb8;
	[tilespmem:$0x10400] =	vst v63  }
0x26: {  	s17 =	simm.s32 $0x300  }
0x27: {  	[tilespmem:s10], [sflag:$0x1] =	stream.indirect.gather [hbm4b:s2+s6], $0x80, s17, s6, $0xb8;
	[tilespmem:$0x10400] =	vst v63  }
0x28: {  	s18 =	simm.s32 $0x380  }
0x29: {  	[tilespmem:s12], [sflag:$0x1] =	stream.indirect.gather [hbm4b:s2+s6], $0x80, s18, s6, $0xb8;
	[tilespmem:$0x10400] =	vst v63  }
0x2a: {  	_ =	swait.ge [sflag:s13], $0x4000  }
0x2b: {  	[sflag:s13] =	ssyncset.done $0x0  }
0x2c: {  	[sflag:s13] =	ssyncadd.s32 $0xFFFFC000  }
0x2d: {  	_ =	swait.ge [sflag:s13], $0x4000  }
0x2e: {  	[sflag:s13] =	ssyncset.done $0x0  }
0x2f: {  	s19 =	ssub.s32 $0x2, s19;
	[sflag:s13] =	ssyncadd.s32 $0xFFFFC000  }
0x30: {  	s21 =	sshrl.u32 s19, $0x1;
	_ =	swait.ge [sflag:s13], $0x4000  }
0x31: {  	s21 =	ssub.s32 s19, s21;
	[sflag:s13] =	ssyncset.done $0x0  }
0x32: {  	s31 =	smax.u32 s21, $0x1;
	[sflag:s13] =	ssyncadd.s32 $0xFFFFC000  }
0x33: {  	p0 =	sne.s32 s31, $0x1;
	_ =	swait.ge [sflag:s13], $0x4000  }
.Ltmp0:
0x34: {  	[sflag:s13] =	ssyncset.done $0x0;
	(pc) =	sbr.rel @!p0 .LBB2_2-.Ltmp0, $4  }
0x35: {  	s19 =	sadd.s32 $0x3600, s20;
	[sflag:s13] =	ssyncadd.s32 $0xFFFFC000  }
0x36: {  	[hbm4b:s19+s3] =	stream.linear.scatter [tilespmem:s7], [sflag:$0x2], $0x10000, $0x38;
	[tilespmem:$0x10400] =	vst v63  }
0x37: {  	_ =	swait.ge [sflag:s4], $0x10000  }
0x38: {  	s20 =	sadd.s32 $0xFFFFFFFF, s31;
	[sflag:s4] =	ssyncset.done $0x0  }
.LBB2_1:
0x39: {  	p0 =	sne.s32 s20, $0x1;
	s20 =	sadd.s32 $0xFFFFFFFF, s20;
	[sflag:s4] =	ssyncadd.s32 $0xFFFF0000  }
0x3a: {  	[tilespmem:s3], [sflag:$0x2] =	stream.linear.gather [hbm4b:s5+s3], $0x400, $0x38;
	[tilespmem:$0x10400] =	vst v63  }
0x3b: {  	_ =	swait.ge [sflag:s4], $0x400  }
0x3c: {  	[sflag:s4] =	ssyncset.done $0x0  }
0x3d: {  	[sflag:s4] =	ssyncadd.s32 $0xFFFFFC00  }
0x3e: {  	[tilespmem:s7], [sflag:$0x1] =	stream.indirect.gather [hbm4b:s2+s6], $0x80, s3, s6, $0xb8;
	[tilespmem:$0x10400] =	vst v63  }
0x3f: {  	_ = 	snop  }
0x40: {  	[tilespmem:s8], [sflag:$0x1] =	stream.indirect.gather [hbm4b:s2+s6], $0x80, s6, s6, $0xb8;
	[tilespmem:$0x10400] =	vst v63  }
0x41: {  	_ = 	snop  }
0x42: {  	[tilespmem:s10], [sflag:$0x1] =	stream.indirect.gather [hbm4b:s2+s6], $0x80, s9, s6, $0xb8;
	[tilespmem:$0x10400] =	vst v63  }
0x43: {  	_ = 	snop  }
0x44: {  	[tilespmem:s12], [sflag:$0x1] =	stream.indirect.gather [hbm4b:s2+s6], $0x80, s11, s6, $0xb8;
	[tilespmem:$0x10400] =	vst v63  }
0x45: {  	_ =	swait.ge [sflag:s13], $0x4000  }
0x46: {  	[sflag:s13] =	ssyncset.done $0x0  }
0x47: {  	[sflag:s13] =	ssyncadd.s32 $0xFFFFC000  }
0x48: {  	_ =	swait.ge [sflag:s13], $0x4000  }
0x49: {  	[sflag:s13] =	ssyncset.done $0x0  }
0x4a: {  	[sflag:s13] =	ssyncadd.s32 $0xFFFFC000  }
0x4b: {  	_ =	swait.ge [sflag:s13], $0x4000  }
0x4c: {  	[sflag:s13] =	ssyncset.done $0x0  }
0x4d: {  	[sflag:s13] =	ssyncadd.s32 $0xFFFFC000  }
0x4e: {  	_ =	swait.ge [sflag:s13], $0x4000  }
0x4f: {  	[sflag:s13] =	ssyncset.done $0x0  }
0x50: {  	[sflag:s13] =	ssyncadd.s32 $0xFFFFC000  }
0x51: {  	[hbm4b:s14+s3] =	stream.linear.scatter [tilespmem:s7], [sflag:$0x2], $0x10000, $0x38;
	[tilespmem:$0x10400] =	vst v63  }
0x52: {  	_ =	swait.ge [sflag:s4], $0x10000  }
0x53: {  	[sflag:s4] =	ssyncset.done $0x0  }
0x54: {  	[sflag:s4] =	ssyncadd.s32 $0xFFFF0000  }
0x55: {  	[tilespmem:s7], [sflag:$0x1] =	stream.indirect.gather [hbm4b:s2+s6], $0x80, s15, s6, $0xb8;
	[tilespmem:$0x10400] =	vst v63  }
0x56: {  	_ = 	snop  }
0x57: {  	[tilespmem:s8], [sflag:$0x1] =	stream.indirect.gather [hbm4b:s2+s6], $0x80, s16, s6, $0xb8;
	[tilespmem:$0x10400] =	vst v63  }
0x58: {  	_ = 	snop  }
0x59: {  	[tilespmem:s10], [sflag:$0x1] =	stream.indirect.gather [hbm4b:s2+s6], $0x80, s17, s6, $0xb8;
	[tilespmem:$0x10400] =	vst v63  }
0x5a: {  	_ = 	snop  }
0x5b: {  	[tilespmem:s12], [sflag:$0x1] =	stream.indirect.gather [hbm4b:s2+s6], $0x80, s18, s6, $0xb8;
	[tilespmem:$0x10400] =	vst v63  }
0x5c: {  	_ =	swait.ge [sflag:s13], $0x4000  }
0x5d: {  	[sflag:s13] =	ssyncset.done $0x0  }
0x5e: {  	[sflag:s13] =	ssyncadd.s32 $0xFFFFC000  }
0x5f: {  	_ =	swait.ge [sflag:s13], $0x4000  }
0x60: {  	[sflag:s13] =	ssyncset.done $0x0  }
0x61: {  	[sflag:s13] =	ssyncadd.s32 $0xFFFFC000  }
0x62: {  	_ =	swait.ge [sflag:s13], $0x4000  }
0x63: {  	[sflag:s13] =	ssyncset.done $0x0  }
0x64: {  	[sflag:s13] =	ssyncadd.s32 $0xFFFFC000  }
0x65: {  	_ =	swait.ge [sflag:s13], $0x4000  }
.Ltmp1:
0x66: {  	[sflag:s13] =	ssyncset.done $0x0;
	(pc) =	sbr.rel @p0 .LBB2_1-.Ltmp1, $4  }
0x67: {  	[sflag:s13] =	ssyncadd.s32 $0xFFFFC000  }
0x68: {  	[hbm4b:s19+s3] =	stream.linear.scatter [tilespmem:s7], [sflag:$0x2], $0x10000, $0x38;
	[tilespmem:$0x10400] =	vst v63  }
0x69: {  	_ =	swait.ge [sflag:s4], $0x10000  }
0x6a: {  	[sflag:s4] =	ssyncset.done $0x0  }
.LBB2_2:
0x6b: {  	[sflag:s4] =	ssyncadd.s32 $0xFFFF0000  }
0x6c: {  	_ =	sfence.sel $0x180000  }
0x6d: {  	[bflag:$0x0] =	sbarrier.arrive $0xFFFF  }
0x6e: {  	p0 =	sne.s32 s0, $0x0;
	_ =	strace $0x90000047  }
0x6f: {  	s0 =	sadd.s32 @!p0 $0x100000, s1;
	[bflag:$0x2] =	sbarrier.arrive $0xFFFF  }
0x70: {  	[sflag:s0] =	ssyncadd.tile.s32 @!p0 $0x1;
	_ =	shalt  }
.Lfunc_end2:
_tile_overlayer_lowered:
.L_overlay_start_2:
0x71: {  	(tag) =	ssettag $0x2  }
0x72: {  	s0 =	rddreg [dreg:$0x0];
	s2 =	stileid.u32  }
0x73: {  	s1 =	rddreg [dreg:$0x1];
	p0 =	sne.s32 s2, $0x0  }
0x74: {  	s3 =	rddreg [dreg:$0x2];
	[bflag:$0x3] =	sbarrier.arrive $0xFFFF;
	s2 =	simm.s32 @!p0 $0x1C02  }
0x75: {  	[timem:s3], [sflag:s2] =	dma.local @!p0 [hbm:s0], s1  }
0x76: {  	s0 =	simm.s32 @!p0 $0x2  }
0x77: {  	_ =	swait.ge @!p0 [sflag:s0], s1  }
0x78: {  	s1 =	ssub.s32 @!p0 $0x0, s1;
	[sflag:s0] =	ssyncset.done @!p0 $0x0  }
0x79: {  	[sflag:s0] =	ssyncadd.s32 @!p0 s1  }
0x7a: {  	[bflag:$0x3] =	sbarrier.arrive $0xFFFF  }
0x7b: {  	_ =	shalt  }

</sc_bundles>
